<compile_context>
chip_gen: v7x
topology: tpu7x:2x2x1
jax: 0.10.2.dev20260603
libtpu: 0.0.44.dev20260713+nightly
codegen_flags: <defaults>
</compile_context>

<pallas_src>
import functools

import jax
import jax.numpy as jnp
from jax import lax
from jax.experimental import pallas as pl
from jax.experimental.pallas import tpu as pltpu
from jax.experimental.pallas import tpu_sc as plsc

N = 10000
NP = 10240
E = 320000
D = 128
NC = 2
NS = 16
NW = NC * NS
CHUNK = 80
EDGES_PER_TILE = E // NW
NCHUNK = EDGES_PER_TILE // CHUNK
G = 5
NG = NCHUNK // G
GA = 4
NGA = NCHUNK // GA
ROWS_PER_TILE = NP // NS

_mesh = plsc.VectorSubcoreMesh(
    core_axis_name="c", subcore_axis_name="s", num_cores=NC, num_subcores=NS
)


def _deg_body(ei_hbm, zeros_hbm, ones_hbm, out_hbm, idx_v, ones_v, acc_sh, sem):
    cid = lax.axis_index("c")
    sid = lax.axis_index("s")
    wid = cid * NS + sid

    pltpu.sync_copy(ones_hbm, ones_v)

    row0 = sid * ROWS_PER_TILE
    pltpu.sync_copy(
        zeros_hbm.at[pl.ds(row0, ROWS_PER_TILE)],
        acc_sh.at[pl.ds(row0, ROWS_PER_TILE)],
    )
    plsc.subcore_barrier()

    base_ck = wid * NCHUNK
    pltpu.sync_copy(ei_hbm.at[pl.ds(base_ck, NCHUNK)], idx_v)

    @pl.loop(0, NG)
    def _(g):
        descs = [
            pltpu.async_copy(ones_v, acc_sh.at[idx_v.at[g * G + b, 1]], sem, add=True)
            for b in range(G)
        ]
        for d_ in descs:
            d_.wait()

    plsc.subcore_barrier()
    pltpu.sync_copy(
        acc_sh.at[pl.ds(row0, ROWS_PER_TILE)],
        out_hbm.at[cid, pl.ds(row0, ROWS_PER_TILE)],
    )


@jax.jit
def _deg_partials(ei_r, zeros128, ones128):
    return pl.kernel(
        _deg_body,
        out_type=jax.ShapeDtypeStruct((NC, NP, D), jnp.float32),
        mesh=_mesh,
        scratch_types=[
            pltpu.VMEM((NCHUNK, 2, CHUNK), jnp.int32),
            pltpu.VMEM((CHUNK, D), jnp.float32),
            pltpu.VMEM_SHARED((NP, D), jnp.float32),
            pltpu.SemaphoreType.DMA,
        ],
    )(ei_r, zeros128, ones128)


G2 = 2
NPAIR = 31


def _agg_body(y_hbm, ei_hbm, zeros_hbm, out_hbm, idxa, idxb, rowsa, rowsb,
              acc_sh, gsa, gsb, ssa, ssb):
    cid = lax.axis_index("c")
    sid = lax.axis_index("s")
    wid = cid * NS + sid

    row0 = sid * ROWS_PER_TILE
    pltpu.sync_copy(
        zeros_hbm.at[pl.ds(row0, ROWS_PER_TILE)],
        acc_sh.at[pl.ds(row0, ROWS_PER_TILE)],
    )
    plsc.subcore_barrier()

    base_ck = wid * NCHUNK

    def fire(idx_v, rows_v, gsem, ck):
        pltpu.sync_copy(ei_hbm.at[pl.ds(ck, G2)], idx_v)
        for b in range(G2):
            pltpu.async_copy(y_hbm.at[idx_v.at[b, 0]], rows_v.at[b], gsem)

    def drain(sem, rows_v):
        for b in range(G2):
            pltpu.make_async_copy(y_hbm.at[pl.ds(0, CHUNK)], rows_v.at[b], sem).wait()

    def scatter(idx_v, rows_v, ssem):
        for b in range(G2):
            pltpu.async_copy(rows_v.at[b], acc_sh.at[idx_v.at[b, 1]], ssem, add=True)

    fire(idxa, rowsa, gsa, base_ck)

    @pl.loop(0, NPAIR)
    def _(t):
        fire(idxb, rowsb, gsb, base_ck + (2 * t + 1) * G2)
        drain(gsa, rowsa)
        scatter(idxa, rowsa, ssa)

        @pl.when(t < NPAIR - 1)
        def _():
            drain(ssa, rowsa)
            fire(idxa, rowsa, gsa, base_ck + (2 * t + 2) * G2)

        drain(gsb, rowsb)
        scatter(idxb, rowsb, ssb)
        drain(ssb, rowsb)

    drain(ssa, rowsa)
    pltpu.sync_copy(ei_hbm.at[pl.ds(base_ck + 2 * NPAIR * G2, 1)], idxa.at[pl.ds(0, 1)])
    pltpu.sync_copy(y_hbm.at[idxa.at[0, 0]], rowsa.at[0])
    pltpu.sync_copy(rowsa.at[0], acc_sh.at[idxa.at[0, 1]], add=True)

    plsc.subcore_barrier()
    pltpu.sync_copy(
        acc_sh.at[pl.ds(row0, ROWS_PER_TILE)],
        out_hbm.at[cid, pl.ds(row0, ROWS_PER_TILE)],
    )


@jax.jit
def _aggregate(y, ei_r, zeros128):
    return pl.kernel(
        _agg_body,
        out_type=jax.ShapeDtypeStruct((NC, NP, D), jnp.float32),
        mesh=_mesh,
        scratch_types=[
            pltpu.VMEM((G2, 2, CHUNK), jnp.int32),
            pltpu.VMEM((G2, 2, CHUNK), jnp.int32),
            pltpu.VMEM((G2, CHUNK, D), jnp.float32),
            pltpu.VMEM((G2, CHUNK, D), jnp.float32),
            pltpu.VMEM_SHARED((NP, D), jnp.float32),
            pltpu.SemaphoreType.DMA,
            pltpu.SemaphoreType.DMA,
            pltpu.SemaphoreType.DMA,
            pltpu.SemaphoreType.DMA,
        ],
    )(y, ei_r, zeros128)



_MB = 1000


_DN_T = (((1,), (1,)), ((), ()))


def _mm_scale_body(x_ref, w_ref, degp_ref, o_ref, dis_ref):
    deg = degp_ref[0, :, 0:1] + degp_ref[1, :, 0:1]
    dis = jnp.where(deg > 0, lax.rsqrt(jnp.maximum(deg, 1.0)), 0.0)
    dis_ref[...] = dis
    acc = lax.dot_general(x_ref[...], w_ref[...], _DN_T,
                          preferred_element_type=jnp.float32)
    o_ref[...] = acc * dis


@jax.jit
def _mm_scale(x, w, degp):
    return pl.pallas_call(
        _mm_scale_body,
        grid=(N // _MB,),
        in_specs=[
            pl.BlockSpec((_MB, D), lambda i: (i, 0)),
            pl.BlockSpec((D, D), lambda i: (0, 0)),
            pl.BlockSpec((NC, _MB, D), lambda i: (0, i, 0)),
        ],
        out_specs=[
            pl.BlockSpec((_MB, D), lambda i: (i, 0)),
            pl.BlockSpec((_MB, 1), lambda i: (i, 0)),
        ],
        out_shape=[
            jax.ShapeDtypeStruct((N, D), jnp.float32),
            jax.ShapeDtypeStruct((N, 1), jnp.float32),
        ],
    )(x, w, degp)


def _mid_body(p_ref, dis_ref, b_ref, w_ref, o_ref):
    h = dis_ref[...] * (p_ref[0] + p_ref[1]) + b_ref[...]
    h = jnp.maximum(h, 0.0)
    acc = lax.dot_general(h, w_ref[...], _DN_T,
                          preferred_element_type=jnp.float32)
    o_ref[...] = acc * dis_ref[...]


@jax.jit
def _mid_layer(p, dis, b, w):
    return pl.pallas_call(
        _mid_body,
        grid=(N // _MB,),
        in_specs=[
            pl.BlockSpec((NC, _MB, D), lambda i: (0, i, 0)),
            pl.BlockSpec((_MB, 1), lambda i: (i, 0)),
            pl.BlockSpec((1, D), lambda i: (0, 0)),
            pl.BlockSpec((D, D), lambda i: (0, 0)),
        ],
        out_specs=pl.BlockSpec((_MB, D), lambda i: (i, 0)),
        out_shape=jax.ShapeDtypeStruct((N, D), jnp.float32),
    )(p, dis, b, w)


def _final_body(q_ref, dis_ref, b_ref, o_ref):
    o_ref[...] = dis_ref[...] * (q_ref[0] + q_ref[1]) + b_ref[...]


@jax.jit
def _final_layer(q, dis, b):
    return pl.pallas_call(
        _final_body,
        grid=(N // _MB,),
        in_specs=[
            pl.BlockSpec((NC, _MB, D), lambda i: (0, i, 0)),
            pl.BlockSpec((_MB, 1), lambda i: (i, 0)),
            pl.BlockSpec((1, D), lambda i: (0, 0)),
        ],
        out_specs=pl.BlockSpec((_MB, D), lambda i: (i, 0)),
        out_shape=jax.ShapeDtypeStruct((N, D), jnp.float32),
    )(q, dis, b)


def kernel(x, edge_index, W1, b1, W2, b2):
    ei = edge_index.astype(jnp.int32)
    ei_r = ei.reshape(2, E // CHUNK, CHUNK).transpose(1, 0, 2)

    zeros128 = jnp.zeros((NP, D), jnp.float32)

    ones128 = jnp.ones((CHUNK, D), jnp.float32)
    degp = _deg_partials(ei_r, zeros128, ones128)
    y1, dis = _mm_scale(x, W1, degp)
    p = _aggregate(y1, ei_r, zeros128)
    y2 = _mid_layer(p, dis, b1.reshape(1, D), W2)
    q = _aggregate(y2, ei_r, zeros128)
    out = _final_layer(q, dis, b2.reshape(1, D))
    return out

# --- scband reference (transcript-rebuilt; emitter-appended) ---
"""Pipeline reference for scband-gcn2-13460427506085 (READ-ONLY COPY).

The authoritative reference and input builder live on the scoring server;
editing this copy changes nothing except your own understanding.
"""

import jax, jax.numpy as jnp
import numpy as np

N = 10000
E = 320000
D_IN = 128
D_HID = 128
D_OUT = 128

def setup_inputs(seed: int = 0) -> dict:
    key = jax.random.key(seed)
    k1, k2, k3, k4, k5, k6 = jax.random.split(key, 6)
    x = jax.random.normal(k1, (N, D_IN), dtype=jnp.float32)
    edge_index = jax.random.randint(k2, (2, E), 0, N)
    W1 = jax.random.normal(k3, (D_HID, D_IN), dtype=jnp.float32) * (1.0 / np.sqrt(D_IN))
    b1 = jax.random.normal(k4, (D_HID,), dtype=jnp.float32) * 0.01
    W2 = jax.random.normal(k5, (D_OUT, D_HID), dtype=jnp.float32) * (1.0 / np.sqrt(D_HID))
    b2 = jax.random.normal(k6, (D_OUT,), dtype=jnp.float32) * 0.01
    return {"x": x, "edge_index": edge_index, "W1": W1, "b1": b1, "W2": W2, "b2": b2}

def _gcn_conv(h, edge_index, W, b):
    # PyG GCNConv with add_self_loops=False, normalize=True (eval mode, dropout inactive)
    src = edge_index[0]
    dst = edge_index[1]
    h = h @ W.T
    ones = jnp.ones((edge_index.shape[1],), dtype=h.dtype)
    deg = jax.ops.segment_sum(ones, dst, num_segments=N)  # in-degree at target nodes
    safe_deg = jnp.where(deg > 0, deg, 1.0)
    deg_inv_sqrt = jnp.where(deg > 0, jax.lax.rsqrt(safe_deg), 0.0)
    norm = deg_inv_sqrt[src] * deg_inv_sqrt[dst]
    msg = h[src] * norm[:, None]
    out = jax.ops.segment_sum(msg, dst, num_segments=N)
    return out + b

def reference(x, edge_index, W1, b1, W2, b2):
    h = _gcn_conv(x, edge_index, W1, b1)
    h = jax.nn.relu(h)
    # dropout is identity in eval / deterministic reference
    out = _gcn_conv(h, edge_index, W2, b2)
    return out

if __name__ == "__main__":
    import jax
    _d = setup_inputs()
    print(jax.jit(kernel)(*tuple(_d.values())))

</pallas_src>

<mosaic_0001>
#map = affine_map<(d0, d1) -> (0, 0, 0)>
#map1 = affine_map<(d0, d1) -> (0, 0)>
module attributes {stable_mosaic.version = 14 : i64} {
  func.func @_deg_body(%arg0: i32, %arg1: i32, %arg2: memref<4000x2x80xi32, #tpu.memory_space<hbm>>, %arg3: memref<10240x128xf32, #tpu.memory_space<hbm>>, %arg4: memref<80x128xf32, #tpu.memory_space<hbm>>, %arg5: memref<2x10240x128xf32, #tpu.memory_space<hbm>>, %arg6: memref<125x2x80xi32, #tpu.memory_space<vmem>>, %arg7: memref<80x128xf32, #tpu.memory_space<vmem>>, %arg8: memref<10240x128xf32, #tpu.memory_space<vmem_shared>>, %arg9: memref<!tpu.dma_semaphore, #tpu.memory_space<semaphore_mem>>) attributes {dimension_semantics = [#tpu.dimension_semantics<core_parallel>, #tpu.dimension_semantics<subcore_parallel>], iteration_bounds = array<i64: 2, 16>, scalar_prefetch = 0 : i64, scratch_operands = 4 : i64, tpu.core_type = #tpu.core_type<sc_vector_subcore>, window_params = [{transform_indices = #map}, {transform_indices = #map1}, {transform_indices = #map1}, {transform_indices = #map}]} {
    %mul3A = arith.constant 16 : i32
    %mul3A_0 = arith.muli %arg0, %mul3A : i32
    %add3A = arith.addi %mul3A_0, %arg1 : i32
    "tpu.region"() ({
      %run_scoped3A = tpu.sem_alloc : memref<!tpu.dma_semaphore, #tpu.memory_space<semaphore_mem>>
      tpu.enqueue_dma source(%arg4 : memref<80x128xf32, #tpu.memory_space<hbm>>) target(%arg7 : memref<80x128xf32, #tpu.memory_space<vmem>>) target_semaphore(%run_scoped3A : memref<!tpu.dma_semaphore, #tpu.memory_space<semaphore_mem>>)
      tpu.wait_dma2 semaphore(%run_scoped3A : memref<!tpu.dma_semaphore, #tpu.memory_space<semaphore_mem>>) src(%arg4 : memref<80x128xf32, #tpu.memory_space<hbm>>) dst(%arg7 : memref<80x128xf32, #tpu.memory_space<vmem>>)
      tpu.yield
    }) : () -> ()
    %mul3A_1 = arith.constant 640 : i32
    %mul3A_2 = arith.muli %arg1, %mul3A_1 : i32
    "tpu.region"() ({
      %run_scoped3A = tpu.sem_alloc : memref<!tpu.dma_semaphore, #tpu.memory_space<semaphore_mem>>
      %dma_start3A = arith.constant 0 : i32
      %dma_start3A_10 = tpu.memref_slice %arg8[%mul3A_2, %dma_start3A] : memref<10240x128xf32, #tpu.memory_space<vmem_shared>> -> memref<640x128xf32, #tpu.memory_space<vmem_shared>>
      %dma_start3A_11 = arith.constant 0 : i32
      %dma_start3A_12 = tpu.memref_slice %arg3[%mul3A_2, %dma_start3A_11] : memref<10240x128xf32, #tpu.memory_space<hbm>> -> memref<640x128xf32, #tpu.memory_space<hbm>>
      tpu.enqueue_dma source(%dma_start3A_12 : memref<640x128xf32, #tpu.memory_space<hbm>>) target(%dma_start3A_10 : memref<640x128xf32, #tpu.memory_space<vmem_shared>>) target_semaphore(%run_scoped3A : memref<!tpu.dma_semaphore, #tpu.memory_space<semaphore_mem>>)
      %dma_wait3A = arith.constant 0 : i32
      %dma_wait3A_13 = tpu.memref_slice %arg8[%mul3A_2, %dma_wait3A] : memref<10240x128xf32, #tpu.memory_space<vmem_shared>> -> memref<640x128xf32, #tpu.memory_space<vmem_shared>>
      %dma_wait3A_14 = arith.constant 0 : i32
      %dma_wait3A_15 = tpu.memref_slice %arg3[%mul3A_2, %dma_wait3A_14] : memref<10240x128xf32, #tpu.memory_space<hbm>> -> memref<640x128xf32, #tpu.memory_space<hbm>>
      tpu.wait_dma2 semaphore(%run_scoped3A : memref<!tpu.dma_semaphore, #tpu.memory_space<semaphore_mem>>) src(%dma_wait3A_15 : memref<640x128xf32, #tpu.memory_space<hbm>>) dst(%dma_wait3A_13 : memref<640x128xf32, #tpu.memory_space<vmem_shared>>)
      tpu.yield
    }) : () -> ()
    %barrier3A = arith.constant 0 : index
    tpu.barrier barrier_id(%barrier3A)
    %mul3A_3 = arith.constant 125 : i32
    %mul3A_4 = arith.muli %add3A, %mul3A_3 : i32
    "tpu.region"() ({
      %run_scoped3A = tpu.sem_alloc : memref<!tpu.dma_semaphore, #tpu.memory_space<semaphore_mem>>
      %dma_start3A = arith.constant 0 : i32
      %dma_start3A_10 = arith.constant 0 : i32
      %dma_start3A_11 = tpu.memref_slice %arg2[%mul3A_4, %dma_start3A, %dma_start3A_10] : memref<4000x2x80xi32, #tpu.memory_space<hbm>> -> memref<125x2x80xi32, #tpu.memory_space<hbm>>
      %dma_start3A_12 = arith.constant 0 : i32
      %dma_start3A_13 = arith.constant 0 : i32
      %dma_start3A_14 = tpu.memref_slice %arg2[%mul3A_4, %dma_start3A_12, %dma_start3A_13] : memref<4000x2x80xi32, #tpu.memory_space<hbm>> -> memref<125x2x80xi32, #tpu.memory_space<hbm>>
      tpu.enqueue_dma source(%dma_start3A_14 : memref<125x2x80xi32, #tpu.memory_space<hbm>>) target(%arg6 : memref<125x2x80xi32, #tpu.memory_space<vmem>>) target_semaphore(%run_scoped3A : memref<!tpu.dma_semaphore, #tpu.memory_space<semaphore_mem>>)
      %dma_wait3A = arith.constant 0 : i32
      %dma_wait3A_15 = arith.constant 0 : i32
      %dma_wait3A_16 = tpu.memref_slice %arg2[%mul3A_4, %dma_wait3A, %dma_wait3A_15] : memref<4000x2x80xi32, #tpu.memory_space<hbm>> -> memref<125x2x80xi32, #tpu.memory_space<hbm>>
      %dma_wait3A_17 = arith.constant 0 : i32
      %dma_wait3A_18 = arith.constant 0 : i32
      %dma_wait3A_19 = tpu.memref_slice %arg2[%mul3A_4, %dma_wait3A_17, %dma_wait3A_18] : memref<4000x2x80xi32, #tpu.memory_space<hbm>> -> memref<125x2x80xi32, #tpu.memory_space<hbm>>
      tpu.wait_dma2 semaphore(%run_scoped3A : memref<!tpu.dma_semaphore, #tpu.memory_space<semaphore_mem>>) src(%dma_wait3A_19 : memref<125x2x80xi32, #tpu.memory_space<hbm>>) dst(%arg6 : memref<125x2x80xi32, #tpu.memory_space<vmem>>)
      tpu.yield
    }) : () -> ()
    %scan3A = arith.constant 0 : i32
    %scan3A_5 = arith.constant 25 : i32
    %scan3A_6 = arith.addi %scan3A, %scan3A_5 : i32
    %scan3A_7 = arith.constant 1 : i32
    scf.for %scan3A_10 = %scan3A to %scan3A_6 step %scan3A_7  : i32 {
      %mul3A_11 = arith.constant 1 : i32
      %mul3A_12 = arith.muli %scan3A_10, %mul3A_11 : i32
      %add3A_13 = arith.constant 0 : i32
      %add3A_14 = arith.addi %add3A_13, %mul3A_12 : i32
      %mul3A_15 = arith.constant 5 : i32
      %mul3A_16 = arith.muli %add3A_14, %mul3A_15 : i32
      %add3A_17 = arith.constant 0 : i32
      %add3A_18 = arith.addi %mul3A_16, %add3A_17 : i32
      %dma_start3A = arith.constant 1 : i32
      %dma_start3A_19 = arith.constant 0 : i32
      %dma_start3A_20 = tpu.memref_slice %arg6[%add3A_18, %dma_start3A, %dma_start3A_19] : memref<125x2x80xi32, #tpu.memory_space<vmem>> -> memref<1x1x80xi32, #tpu.memory_space<vmem>>
      %dma_start3A_21 = tpu.memref_squeeze %dma_start3A_20 : memref<1x1x80xi32, #tpu.memory_space<vmem>> -> memref<80xi32, #tpu.memory_space<vmem>>
      %dma_start3A_22 = arith.constant 0 : i32
      %dma_start3A_23 = arith.constant 0 : i32
      %dma_start3A_24 = tpu.memref_slice %arg8[%dma_start3A_22, %dma_start3A_23] : memref<10240x128xf32, #tpu.memory_space<vmem_shared>> -> memref<10240x128xf32, #tpu.memory_space<vmem_shared>>
      tpu.enqueue_indirect_dma source(%arg7 : memref<80x128xf32, #tpu.memory_space<vmem>>) target(%dma_start3A_24 : memref<10240x128xf32, #tpu.memory_space<vmem_shared>>) offsets(%dma_start3A_21 : memref<80xi32, #tpu.memory_space<vmem>>) semaphore(%arg9 : memref<!tpu.dma_semaphore, #tpu.memory_space<semaphore_mem>>) {add = true}
      %mul3A_25 = arith.constant 5 : i32
      %mul3A_26 = arith.muli %add3A_14, %mul3A_25 : i32
      %add3A_27 = arith.constant 1 : i32
      %add3A_28 = arith.addi %mul3A_26, %add3A_27 : i32
      %dma_start3A_29 = arith.constant 1 : i32
      %dma_start3A_30 = arith.constant 0 : i32
      %dma_start3A_31 = tpu.memref_slice %arg6[%add3A_28, %dma_start3A_29, %dma_start3A_30] : memref<125x2x80xi32, #tpu.memory_space<vmem>> -> memref<1x1x80xi32, #tpu.memory_space<vmem>>
      %dma_start3A_32 = tpu.memref_squeeze %dma_start3A_31 : memref<1x1x80xi32, #tpu.memory_space<vmem>> -> memref<80xi32, #tpu.memory_space<vmem>>
      %dma_start3A_33 = arith.constant 0 : i32
      %dma_start3A_34 = arith.constant 0 : i32
      %dma_start3A_35 = tpu.memref_slice %arg8[%dma_start3A_33, %dma_start3A_34] : memref<10240x128xf32, #tpu.memory_space<vmem_shared>> -> memref<10240x128xf32, #tpu.memory_space<vmem_shared>>
      tpu.enqueue_indirect_dma source(%arg7 : memref<80x128xf32, #tpu.memory_space<vmem>>) target(%dma_start3A_35 : memref<10240x128xf32, #tpu.memory_space<vmem_shared>>) offsets(%dma_start3A_32 : memref<80xi32, #tpu.memory_space<vmem>>) semaphore(%arg9 : memref<!tpu.dma_semaphore, #tpu.memory_space<semaphore_mem>>) {add = true}
      %mul3A_36 = arith.constant 5 : i32
      %mul3A_37 = arith.muli %add3A_14, %mul3A_36 : i32
      %add3A_38 = arith.constant 2 : i32
      %add3A_39 = arith.addi %mul3A_37, %add3A_38 : i32
      %dma_start3A_40 = arith.constant 1 : i32
      %dma_start3A_41 = arith.constant 0 : i32
      %dma_start3A_42 = tpu.memref_slice %arg6[%add3A_39, %dma_start3A_40, %dma_start3A_41] : memref<125x2x80xi32, #tpu.memory_space<vmem>> -> memref<1x1x80xi32, #tpu.memory_space<vmem>>
      %dma_start3A_43 = tpu.memref_squeeze %dma_start3A_42 : memref<1x1x80xi32, #tpu.memory_space<vmem>> -> memref<80xi32, #tpu.memory_space<vmem>>
      %dma_start3A_44 = arith.constant 0 : i32
      %dma_start3A_45 = arith.constant 0 : i32
      %dma_start3A_46 = tpu.memref_slice %arg8[%dma_start3A_44, %dma_start3A_45] : memref<10240x128xf32, #tpu.memory_space<vmem_shared>> -> memref<10240x128xf32, #tpu.memory_space<vmem_shared>>
      tpu.enqueue_indirect_dma source(%arg7 : memref<80x128xf32, #tpu.memory_space<vmem>>) target(%dma_start3A_46 : memref<10240x128xf32, #tpu.memory_space<vmem_shared>>) offsets(%dma_start3A_43 : memref<80xi32, #tpu.memory_space<vmem>>) semaphore(%arg9 : memref<!tpu.dma_semaphore, #tpu.memory_space<semaphore_mem>>) {add = true}
      %mul3A_47 = arith.constant 5 : i32
      %mul3A_48 = arith.muli %add3A_14, %mul3A_47 : i32
      %add3A_49 = arith.constant 3 : i32
      %add3A_50 = arith.addi %mul3A_48, %add3A_49 : i32
      %dma_start3A_51 = arith.constant 1 : i32
      %dma_start3A_52 = arith.constant 0 : i32
      %dma_start3A_53 = tpu.memref_slice %arg6[%add3A_50, %dma_start3A_51, %dma_start3A_52] : memref<125x2x80xi32, #tpu.memory_space<vmem>> -> memref<1x1x80xi32, #tpu.memory_space<vmem>>
      %dma_start3A_54 = tpu.memref_squeeze %dma_start3A_53 : memref<1x1x80xi32, #tpu.memory_space<vmem>> -> memref<80xi32, #tpu.memory_space<vmem>>
      %dma_start3A_55 = arith.constant 0 : i32
      %dma_start3A_56 = arith.constant 0 : i32
      %dma_start3A_57 = tpu.memref_slice %arg8[%dma_start3A_55, %dma_start3A_56] : memref<10240x128xf32, #tpu.memory_space<vmem_shared>> -> memref<10240x128xf32, #tpu.memory_space<vmem_shared>>
      tpu.enqueue_indirect_dma source(%arg7 : memref<80x128xf32, #tpu.memory_space<vmem>>) target(%dma_start3A_57 : memref<10240x128xf32, #tpu.memory_space<vmem_shared>>) offsets(%dma_start3A_54 : memref<80xi32, #tpu.memory_space<vmem>>) semaphore(%arg9 : memref<!tpu.dma_semaphore, #tpu.memory_space<semaphore_mem>>) {add = true}
      %mul3A_58 = arith.constant 5 : i32
      %mul3A_59 = arith.muli %add3A_14, %mul3A_58 : i32
      %add3A_60 = arith.constant 4 : i32
      %add3A_61 = arith.addi %mul3A_59, %add3A_60 : i32
      %dma_start3A_62 = arith.constant 1 : i32
      %dma_start3A_63 = arith.constant 0 : i32
      %dma_start3A_64 = tpu.memref_slice %arg6[%add3A_61, %dma_start3A_62, %dma_start3A_63] : memref<125x2x80xi32, #tpu.memory_space<vmem>> -> memref<1x1x80xi32, #tpu.memory_space<vmem>>
      %dma_start3A_65 = tpu.memref_squeeze %dma_start3A_64 : memref<1x1x80xi32, #tpu.memory_space<vmem>> -> memref<80xi32, #tpu.memory_space<vmem>>
      %dma_start3A_66 = arith.constant 0 : i32
      %dma_start3A_67 = arith.constant 0 : i32
      %dma_start3A_68 = tpu.memref_slice %arg8[%dma_start3A_66, %dma_start3A_67] : memref<10240x128xf32, #tpu.memory_space<vmem_shared>> -> memref<10240x128xf32, #tpu.memory_space<vmem_shared>>
      tpu.enqueue_indirect_dma source(%arg7 : memref<80x128xf32, #tpu.memory_space<vmem>>) target(%dma_start3A_68 : memref<10240x128xf32, #tpu.memory_space<vmem_shared>>) offsets(%dma_start3A_65 : memref<80xi32, #tpu.memory_space<vmem>>) semaphore(%arg9 : memref<!tpu.dma_semaphore, #tpu.memory_space<semaphore_mem>>) {add = true}
      %dma_wait3A = arith.constant 1 : i32
      %dma_wait3A_69 = arith.constant 0 : i32
      %dma_wait3A_70 = tpu.memref_slice %arg6[%add3A_18, %dma_wait3A, %dma_wait3A_69] : memref<125x2x80xi32, #tpu.memory_space<vmem>> -> memref<1x1x80xi32, #tpu.memory_space<vmem>>
      %dma_wait3A_71 = tpu.memref_squeeze %dma_wait3A_70 : memref<1x1x80xi32, #tpu.memory_space<vmem>> -> memref<80xi32, #tpu.memory_space<vmem>>
      %dma_wait3A_72 = arith.constant 0 : i32
      %dma_wait3A_73 = arith.constant 0 : i32
      %dma_wait3A_74 = tpu.memref_slice %arg8[%dma_wait3A_72, %dma_wait3A_73] : memref<10240x128xf32, #tpu.memory_space<vmem_shared>> -> memref<10240x128xf32, #tpu.memory_space<vmem_shared>>
      tpu.wait_indirect_dma semaphore(%arg9 : memref<!tpu.dma_semaphore, #tpu.memory_space<semaphore_mem>>) src(%arg7 : memref<80x128xf32, #tpu.memory_space<vmem>>) dst(%dma_wait3A_74 : memref<10240x128xf32, #tpu.memory_space<vmem_shared>>)
      %dma_wait3A_75 = arith.constant 1 : i32
      %dma_wait3A_76 = arith.constant 0 : i32
      %dma_wait3A_77 = tpu.memref_slice %arg6[%add3A_28, %dma_wait3A_75, %dma_wait3A_76] : memref<125x2x80xi32, #tpu.memory_space<vmem>> -> memref<1x1x80xi32, #tpu.memory_space<vmem>>
      %dma_wait3A_78 = tpu.memref_squeeze %dma_wait3A_77 : memref<1x1x80xi32, #tpu.memory_space<vmem>> -> memref<80xi32, #tpu.memory_space<vmem>>
      %dma_wait3A_79 = arith.constant 0 : i32
      %dma_wait3A_80 = arith.constant 0 : i32
      %dma_wait3A_81 = tpu.memref_slice %arg8[%dma_wait3A_79, %dma_wait3A_80] : memref<10240x128xf32, #tpu.memory_space<vmem_shared>> -> memref<10240x128xf32, #tpu.memory_space<vmem_shared>>
      tpu.wait_indirect_dma semaphore(%arg9 : memref<!tpu.dma_semaphore, #tpu.memory_space<semaphore_mem>>) src(%arg7 : memref<80x128xf32, #tpu.memory_space<vmem>>) dst(%dma_wait3A_81 : memref<10240x128xf32, #tpu.memory_space<vmem_shared>>)
      %dma_wait3A_82 = arith.constant 1 : i32
      %dma_wait3A_83 = arith.constant 0 : i32
      %dma_wait3A_84 = tpu.memref_slice %arg6[%add3A_39, %dma_wait3A_82, %dma_wait3A_83] : memref<125x2x80xi32, #tpu.memory_space<vmem>> -> memref<1x1x80xi32, #tpu.memory_space<vmem>>
      %dma_wait3A_85 = tpu.memref_squeeze %dma_wait3A_84 : memref<1x1x80xi32, #tpu.memory_space<vmem>> -> memref<80xi32, #tpu.memory_space<vmem>>
      %dma_wait3A_86 = arith.constant 0 : i32
      %dma_wait3A_87 = arith.constant 0 : i32
      %dma_wait3A_88 = tpu.memref_slice %arg8[%dma_wait3A_86, %dma_wait3A_87] : memref<10240x128xf32, #tpu.memory_space<vmem_shared>> -> memref<10240x128xf32, #tpu.memory_space<vmem_shared>>
      tpu.wait_indirect_dma semaphore(%arg9 : memref<!tpu.dma_semaphore, #tpu.memory_space<semaphore_mem>>) src(%arg7 : memref<80x128xf32, #tpu.memory_space<vmem>>) dst(%dma_wait3A_88 : memref<10240x128xf32, #tpu.memory_space<vmem_shared>>)
      %dma_wait3A_89 = arith.constant 1 : i32
      %dma_wait3A_90 = arith.constant 0 : i32
      %dma_wait3A_91 = tpu.memref_slice %arg6[%add3A_50, %dma_wait3A_89, %dma_wait3A_90] : memref<125x2x80xi32, #tpu.memory_space<vmem>> -> memref<1x1x80xi32, #tpu.memory_space<vmem>>
      %dma_wait3A_92 = tpu.memref_squeeze %dma_wait3A_91 : memref<1x1x80xi32, #tpu.memory_space<vmem>> -> memref<80xi32, #tpu.memory_space<vmem>>
      %dma_wait3A_93 = arith.constant 0 : i32
      %dma_wait3A_94 = arith.constant 0 : i32
      %dma_wait3A_95 = tpu.memref_slice %arg8[%dma_wait3A_93, %dma_wait3A_94] : memref<10240x128xf32, #tpu.memory_space<vmem_shared>> -> memref<10240x128xf32, #tpu.memory_space<vmem_shared>>
      tpu.wait_indirect_dma semaphore(%arg9 : memref<!tpu.dma_semaphore, #tpu.memory_space<semaphore_mem>>) src(%arg7 : memref<80x128xf32, #tpu.memory_space<vmem>>) dst(%dma_wait3A_95 : memref<10240x128xf32, #tpu.memory_space<vmem_shared>>)
      %dma_wait3A_96 = arith.constant 1 : i32
      %dma_wait3A_97 = arith.constant 0 : i32
      %dma_wait3A_98 = tpu.memref_slice %arg6[%add3A_61, %dma_wait3A_96, %dma_wait3A_97] : memref<125x2x80xi32, #tpu.memory_space<vmem>> -> memref<1x1x80xi32, #tpu.memory_space<vmem>>
      %dma_wait3A_99 = tpu.memref_squeeze %dma_wait3A_98 : memref<1x1x80xi32, #tpu.memory_space<vmem>> -> memref<80xi32, #tpu.memory_space<vmem>>
      %dma_wait3A_100 = arith.constant 0 : i32
      %dma_wait3A_101 = arith.constant 0 : i32
      %dma_wait3A_102 = tpu.memref_slice %arg8[%dma_wait3A_100, %dma_wait3A_101] : memref<10240x128xf32, #tpu.memory_space<vmem_shared>> -> memref<10240x128xf32, #tpu.memory_space<vmem_shared>>
      tpu.wait_indirect_dma semaphore(%arg9 : memref<!tpu.dma_semaphore, #tpu.memory_space<semaphore_mem>>) src(%arg7 : memref<80x128xf32, #tpu.memory_space<vmem>>) dst(%dma_wait3A_102 : memref<10240x128xf32, #tpu.memory_space<vmem_shared>>)
    }
    %scan3A_8 = arith.constant 25 : i32
    %barrier3A_9 = arith.constant 0 : index
    tpu.barrier barrier_id(%barrier3A_9)
    "tpu.region"() ({
      %run_scoped3A = tpu.sem_alloc : memref<!tpu.dma_semaphore, #tpu.memory_space<semaphore_mem>>
      %dma_start3A = arith.constant 0 : i32
      %dma_start3A_10 = tpu.memref_slice %arg5[%arg0, %mul3A_2, %dma_start3A] : memref<2x10240x128xf32, #tpu.memory_space<hbm>> -> memref<1x640x128xf32, #tpu.memory_space<hbm>>
      %dma_start3A_11 = tpu.memref_squeeze %dma_start3A_10 : memref<1x640x128xf32, #tpu.memory_space<hbm>> -> memref<640x128xf32, #tpu.memory_space<hbm>>
      %dma_start3A_12 = arith.constant 0 : i32
      %dma_start3A_13 = tpu.memref_slice %arg8[%mul3A_2, %dma_start3A_12] : memref<10240x128xf32, #tpu.memory_space<vmem_shared>> -> memref<640x128xf32, #tpu.memory_space<vmem_shared>>
      tpu.enqueue_dma source(%dma_start3A_13 : memref<640x128xf32, #tpu.memory_space<vmem_shared>>) target(%dma_start3A_11 : memref<640x128xf32, #tpu.memory_space<hbm>>) target_semaphore(%run_scoped3A : memref<!tpu.dma_semaphore, #tpu.memory_space<semaphore_mem>>)
      %dma_wait3A = arith.constant 0 : i32
      %dma_wait3A_14 = tpu.memref_slice %arg5[%arg0, %mul3A_2, %dma_wait3A] : memref<2x10240x128xf32, #tpu.memory_space<hbm>> -> memref<1x640x128xf32, #tpu.memory_space<hbm>>
      %dma_wait3A_15 = tpu.memref_squeeze %dma_wait3A_14 : memref<1x640x128xf32, #tpu.memory_space<hbm>> -> memref<640x128xf32, #tpu.memory_space<hbm>>
      %dma_wait3A_16 = arith.constant 0 : i32
      %dma_wait3A_17 = tpu.memref_slice %arg8[%mul3A_2, %dma_wait3A_16] : memref<10240x128xf32, #tpu.memory_space<vmem_shared>> -> memref<640x128xf32, #tpu.memory_space<vmem_shared>>
      tpu.wait_dma2 semaphore(%run_scoped3A : memref<!tpu.dma_semaphore, #tpu.memory_space<semaphore_mem>>) src(%dma_wait3A_17 : memref<640x128xf32, #tpu.memory_space<vmem_shared>>) dst(%dma_wait3A_15 : memref<640x128xf32, #tpu.memory_space<hbm>>)
      tpu.yield
    }) : () -> ()
    return
  }
}

</mosaic_0001>

<sc_bundles>
// kernel: _deg_partials.3.cloned.1.call-start
scs
__scs_entry_jumppad:
0x0: {  	(pc) =	sbr.rel $0x88, $3  }
0x1: {  	(tag) =	ssettag $0x0;
	lr =	simm.s32 $0x1  }
0x2: {  	[smem:$0x3F9E] =	sst lr;
	_ =	strace $0xD0000000  }
0x3: {  	_ = 	snop  }
0x4: {  	_ = 	snop  }
0x5: {  	_ = 	snop  }
0x6: {  	_ = 	snop  }
0x7: {  	_ = 	snop  }
__scs_overlays_trampoline_lowered:
0x8: {  	[smem:$0x3FAD] =	sst s0  }
0x9: {  	[smem:$0x3FAE] =	sst s1  }
0xa: {  	[smem:$0x3FAF] =	sst s2  }
0xb: {  	[smem:$0x3FB0] =	sst s3  }
0xc: {  	[smem:$0x3FB1] =	sst s4  }
0xd: {  	[smem:$0x3FB2] =	sst s5  }
0xe: {  	[smem:$0x3FB3] =	sst s6  }
0xf: {  	[smem:$0x3FB4] =	sst s7  }
0x10: {  	[smem:$0x3FB5] =	sst s8  }
0x11: {  	[smem:$0x3FB6] =	sst s9;
	s0 =	simm.s32 @!p0 $0x0  }
0x12: {  	s1 =	sld [smem:$0x3F9C];
	s0 =	simm.s32 @p0 $0x1  }
0x13: {  	[smem:$0x3FB7] =	sst s0;
	s0 =	simm.s32 @!p1 $0x0  }
0x14: {  	s2 =	sld [smem:$0x3F9B];
	s0 =	simm.s32 @p1 $0x1  }
0x15: {  	[smem:$0x3FB8] =	sst s0;
	s0 =	simm.s32 @!p2 $0x0  }
0x16: {  	s3 =	sld [smem:$0x3FDB];
	s0 =	simm.s32 @p2 $0x1  }
0x17: {  	s4 =	simm.s32 $0x1BF5;
	[smem:$0x3FBA] =	sst s0  }
0x18: {  	s0 =	sld [smem:$0x3F9D];
	_ =	swait.ge [sflag:s4], $0x0  }
0x19: {  	s7 =	sld [smem:$0x3F9E]  }
0x1a: {  	s8 =	sadd.s32 $0xFFFFE003, lr  }
0x1b: {  	s9 =	sadd.s32 $0xFFFFFEF7, lr;
	s5 =	simm.s32 $0xFFFFFFFF;
	p2 =	slt.u32 s8, $0xFFFFF086  }
0x1c: {  	p1 =	slt.u32 s9, $0xF7A;
	s5 =	simm.s32 @!p2 $0x0  }
0x1d: {  	s5 =	simm.s32 @p1 $0x1;
	p0 =	seq.s32 s7, s2  }
0x1e: {  	s7 =	smul.u32 @!p0 $0xF7A, s2;
	p2 =	seq.s32 @!p0 s5, $0x0  }
0x1f: {  	s9 =	smul.u32 $0xF7A, s1;
	s8 =	simm.s32 @!p0 $0x1BF5;
	p2 =	por !p2, p0  }
0x20: {  	[sflag:s8] =	ssyncset.s32 @!p0 $0xFFFFF086;
	s6 =	sadd.s32 @!p0 s3, s7;
	s7 =	simm.s32 @!p0 $0x108  }
0x21: {  	s3 =	sadd.s32 s3, s9;
	s6 =	sadd.s32 @!p0 $0x88, s6;
	s7 =	simm.s32 @p2 $0x1082  }
0x22: {  	[simem:s7], [sflag:s8] =	dma.local @!p0 [hbm:s6], $0xF7A  }
0x23: {  	s9 =	sor.u32 $0xD0000000, s2;
	s6 =	simm.s32 $0x108;
	_ =	swait.ge @!p0 [sflag:s8], $0x0  }
0x24: {  	s3 =	sadd.s32 $0x88, s3;
	s6 =	simm.s32 @!p1 $0x1082;
	[sflag:s4] =	ssyncset.s32 $0xFFFFF086  }
0x25: {  	[simem:s6], [sflag:s4] =	dma.local [hbm:s3], $0xF7A  }
0x26: {  	[smem:$0x3F9E] =	sst s1;
	(tag) =	ssettag s2;
	_ =	strace s9  }
0x27: {  	s1 =	sld [smem:$0x3FAE]  }
0x28: {  	s2 =	sld [smem:$0x3FAF]  }
0x29: {  	s4 =	sld [smem:$0x3FB1]  }
0x2a: {  	p0 =	seq.s32 s5, $0x0;
	s5 =	sld [smem:$0x3FB2]  }
0x2b: {  	s6 =	sld [smem:$0x3FB3]  }
0x2c: {  	s7 =	sld [smem:$0x3FB4]  }
0x2d: {  	s3 =	simm.s32 $0x108;
	s8 =	sld [smem:$0x3FB5]  }
0x2e: {  	s3 =	simm.s32 @!p0 $0x1082;
	s9 =	sld [smem:$0x3FB6]  }
0x2f: {  	lr =	sadd.s32 s0, s3;
	s0 =	sld [smem:$0x3FAD]  }
0x30: {  	s3 =	sld [smem:$0x3FB0]  }
0x31: {  	[smem:$0x3FB9] =	sst s10  }
0x32: {  	s10 =	sld [smem:$0x3FB7];
	_ =	sdelay $0x3  }
0x33: {  	p0 =	seq.s32 s10, $0x1;
	s10 =	sld [smem:$0x3FB9];
	_ =	sdelay $0x3  }
0x34: {  	[smem:$0x3FB9] =	sst s10  }
0x35: {  	s10 =	sld [smem:$0x3FB8];
	_ =	sdelay $0x3  }
0x36: {  	p1 =	seq.s32 s10, $0x1;
	s10 =	sld [smem:$0x3FB9];
	_ =	sdelay $0x3  }
0x37: {  	[smem:$0x3FB9] =	sst s10  }
0x38: {  	s10 =	sld [smem:$0x3FBA]  }
0x39: {  	_ = 	snop;
	(pc) =	sbr.ind lr, $3  }
0x3a: {  	_ = 	snop  }
0x3b: {  	_ = 	snop  }
0x3c: {  	p2 =	seq.s32 s10, $0x1;
	s10 =	sld [smem:$0x3FB9]  }
0x3d: {  	_ =	shalt  }
0x3e: {  	_ =	shalt  }
0x3f: {  	_ =	shalt  }
0x40: {  	_ =	shalt  }
0x41: {  	_ =	shalt  }
0x42: {  	_ =	shalt  }
0x43: {  	_ =	shalt  }
0x44: {  	_ =	shalt  }
0x45: {  	_ =	shalt  }
0x46: {  	_ =	shalt  }
0x47: {  	_ =	shalt  }
0x48: {  	_ =	shalt  }
0x49: {  	_ =	shalt  }
0x4a: {  	_ =	shalt  }
0x4b: {  	_ =	shalt  }
0x4c: {  	_ =	shalt  }
0x4d: {  	_ =	shalt  }
0x4e: {  	_ =	shalt  }
0x4f: {  	_ =	shalt  }
0x50: {  	_ =	shalt  }
0x51: {  	_ =	shalt  }
0x52: {  	_ =	shalt  }
0x53: {  	_ =	shalt  }
0x54: {  	_ =	shalt  }
0x55: {  	_ =	shalt  }
0x56: {  	_ =	shalt  }
0x57: {  	_ =	shalt  }
0x58: {  	_ =	shalt  }
0x59: {  	_ =	shalt  }
0x5a: {  	_ =	shalt  }
0x5b: {  	_ =	shalt  }
0x5c: {  	_ =	shalt  }
0x5d: {  	_ =	shalt  }
0x5e: {  	_ =	shalt  }
0x5f: {  	_ =	shalt  }
0x60: {  	_ =	shalt  }
0x61: {  	_ =	shalt  }
0x62: {  	_ =	shalt  }
0x63: {  	_ =	shalt  }
0x64: {  	_ =	shalt  }
0x65: {  	_ =	shalt  }
0x66: {  	_ =	shalt  }
0x67: {  	_ =	shalt  }
0x68: {  	_ =	shalt  }
0x69: {  	_ =	shalt  }
0x6a: {  	_ =	shalt  }
0x6b: {  	_ =	shalt  }
0x6c: {  	_ =	shalt  }
0x6d: {  	_ =	shalt  }
0x6e: {  	_ =	shalt  }
0x6f: {  	_ =	shalt  }
0x70: {  	_ =	shalt  }
0x71: {  	_ =	shalt  }
0x72: {  	_ =	shalt  }
0x73: {  	_ =	shalt  }
0x74: {  	_ =	shalt  }
0x75: {  	_ =	shalt  }
0x76: {  	_ =	shalt  }
0x77: {  	_ =	shalt  }
0x78: {  	_ =	shalt  }
0x79: {  	_ =	shalt  }
0x7a: {  	_ =	shalt  }
0x7b: {  	_ =	shalt  }
0x7c: {  	_ =	shalt  }
0x7d: {  	_ =	shalt  }
0x7e: {  	_ =	shalt  }
0x7f: {  	_ =	shalt  }
0x80: {  	_ =	shalt  }
0x81: {  	_ =	shalt  }
0x82: {  	_ =	shalt  }
0x83: {  	_ =	shalt  }
0x84: {  	_ =	shalt  }
0x85: {  	_ =	shalt  }
0x86: {  	_ =	shalt  }
0x87: {  	_ =	shalt  }
.Lfunc_end0:
.L_simem_size_0:
called_computation_lowered:
.L_overlay_start_0:
0x88: {  	s2 =	sld [smem:$0x3FD9]  }
0x89: {  	s3 =	sld [smem:$0x3FFE];
	_ =	sdelay $0x1  }
0x8a: {  	s1 =	srdreg.scid  }
0x8b: {  	s0 =	sand.u32 $0x1, s1  }
0x8c: {  	s17 =	sshll.u32 s0, $0xA;
	s2 =	sadd.s32 s3, s2  }
0x8d: {  	s2 =	sadd.s32 s2, s17  }
0x8e: {  	[smem:$0x3FC5] =	sst s2  }
0x8f: {  	_ = 	snop  }
0x90: {  	s2 =	sld [smem:$0x3FC8]  }
0x91: {  	s18 =	sld [smem:$0x3FC7]  }
0x92: {  	s4 =	sld [smem:$0x3FD0];
	(tm) =	ssettm $0x1  }
0x93: {  	s5 =	sld [smem:$0x3FFB];
	_ =	sdelay $0x3  }
0x94: {  	_ =	strace s5  }
0x95: {  	s5 =	sld [smem:$0x3FFC];
	_ =	sdelay $0x3  }
0x96: {  	_ =	strace s5  }
0x97: {  	s5 =	sld [smem:$0x3FFD];
	_ =	sdelay $0x3  }
0x98: {  	_ =	strace s5  }
0x99: {  	_ =	strace $0x8FFFFFFF  }
0x9a: {  	s19 =	sld [smem:$0x3FDB];
	_ =	sdelay $0x1  }
0x9b: {  	s6 =	simm.s32 $_scs_section_size  }
0x9c: {  	s7 =	simm.s32 $_size__tile_overlayer_lowered;
	s8 =	simm.s32 $_tile_overlayer_lowered  }
0x9d: {  	s22 =	simm.s32 $0x1BFF;
	s21 =	sshll.u32 s8, $0x1;
	s5 =	sadd.s32 s6, s19  }
0x9e: {  	s9 =	simm.s32 $0x0;
	s20 =	sshll.u32 s7, $0x1;
	s7 =	sadd.s32 s21, s5  }
0x9f: {  	[timem:s9], [sflag:s22] =	dma.local [hbm:s7], s20  }
0xa0: {  	_ =	swait.ge [sflag:s22], s20  }
0xa1: {  	s6 =	ssub.s32 $0x0, s20;
	[sflag:s22] =	ssyncset.done $0x0  }
0xa2: {  	[sflag:s22] =	ssyncadd.s32 s6;
	_ =	sdelay $0x1  }
0xa3: {  	s23 =	simm.s32 $0x1B8B  }
0xa4: {  	_ =	swait.ge [sflag:s23], $0x1  }
0xa5: {  	[sflag:s23] =	ssyncset.done $0x0  }
0xa6: {  	s25 =	simm.s32 $0x1B8E;
	s24 =	sld [smem:$0x3FFE];
	[sflag:s23] =	ssyncadd.s32 $0xFFFFFFFF  }
0xa7: {  	s26 =	simm.s32 $execute0_lowered;
	[smem:$0x3FD2] =	sst s25  }
0xa8: {  	s7 =	sshll.u32 s26, $0x1;
	_ =	strace $0x80000046;
	[dreg:$0x1] =	wrdreg $0xFFFFFFFF  }
0xa9: {  	s28 =	simm.s32 $_size_execute0_lowered;
	s5 =	sadd.s32 s5, s7;
	[dreg:$0x0] =	wrdreg $0x0  }
0xaa: {  	s7 =	sshll.u32 s28, $0x1;
	[dreg:$0x2] =	wrdreg s5  }
0xab: {  	[dreg:$0x3] =	wrdreg s7  }
0xac: {  	[dreg:$0x4] =	wrdreg $0xC0  }
0xad: {  	_ =	task [dreg:s9], $0x5FFFF  }
0xae: {  	[dreg:$0x1] =	wrdreg $0xFFFFFFFF  }
0xaf: {  	[dreg:$0x0] =	wrdreg $0x60  }
0xb0: {  	[dreg:$0x2] =	wrdreg s24  }
0xb1: {  	[dreg:$0x3] =	wrdreg s2  }
0xb2: {  	[dreg:$0x4] =	wrdreg s18  }
0xb3: {  	[dreg:$0x5] =	wrdreg s4  }
0xb4: {  	[dreg:$0x6] =	wrdreg $0xA5000  }
0xb5: {  	[dreg:$0x7] =	wrdreg $0x9  }
0xb6: {  	_ =	task.clear_ibuf [dreg:s9], $0x8FFFF;
	_ =	strace $0x90000046  }
0xb7: {  	s29 =	simm.s32 $0x9;
	_ =	strace $0x80000048  }
0xb8: {  	_ =	swait.ge [sflag:s29], $0x1  }
0xb9: {  	[sflag:s29] =	ssyncadd.s32 $0xFFFFFFFF  }
0xba: {  	_ =	strace $0x90000048  }
0xbb: {  	_ =	sfence  }
0xbc: {  	s30 =	sld [smem:$0x0];
	_ =	sdelay $0x2  }
0xbd: {  	s31 =	sshll.u32 s1, $0xD;
	s1 =	sshrl.u32 s1, $0x2  }
0xbe: {  	s3 =	sand.u32 $0x4000, s31;
	s1 =	sadd.s32 s1, s30  }
0xbf: {  	s0 =	sor.u32 s3, s0;
	s1 =	sshll.u32 s1, $0x11  }
0xc0: {  	s0 =	sor.u32 s1, s0  }
0xc1: {  	s0 =	sadd.s32 $0x8F2B, s0  }
0xc2: {  	[sflag:s0] =	ssyncadd.remote.s32 $0x1  }
0xc3: {  	_ =	sfence.sel $0xFFFF  }
0xc4: {  	[dreg:$0x0] =	wrdreg $0xFFFFFFFF;
	(pc) =	sbr.abs _section_cstart, $3  }
0xc5: {  	[dreg:$0x1] =	wrdreg $0xFFFFFFFF  }
0xc6: {  	_ =	task.clear_ibuf [dreg:s9], $0x2FFFF;
	_ =	strace $0x9FFFFFFF  }
0xc7: {  	(tm) =	ssettm $0x7FFFFFFF  }
tec
execute0_lowered:
.L_overlay_start_1:
0x0: {  	(tag) =	ssettag $0x1  }
0x1: {  	s5 =	rddreg [dreg:$0x0]  }
0x2: {  	s7 =	rddreg [dreg:$0x1]  }
0x3: {  	s2 =	rddreg [dreg:$0x2]  }
0x4: {  	s8 =	rddreg [dreg:$0x3]  }
0x5: {  	s0 =	srdreg.scid;
	s3 =	rddreg [dreg:$0x4]  }
0x6: {  	s4 =	simm.s32 $0x0;
	s6 =	sand.u32 $0x1, s0;
	s0 =	stileid.u32  }
0x7: {  	s14 =	simm.s32 $0x1;
	s15 =	simm.s32 $0x0;
	s10 =	smul.u32 $0x50000, s0  }
0x8: {  	[smem:$0x7FF] =	sst s4;
	s1 =	sshll.u32 s6, $0x4;
	s11 =	smul.u32 $0x14000, s0  }
0x9: {  	s12 =	ssub.s32 $0x2, s6;
	s6 =	smul.u32 $0x140000, s6;
	s1 =	sor.u32 s0, s1  }
0xa: {  	s31 =	sshll.u32 s0, $0x6;
	s26 =	sshrl.u32 s12, $0x1;
	s9 =	smul.u32 $0xFA0, s1  }
0xb: {  	s1 =	rddreg [dreg:$0x5];
	_ =	strace $0x80000047;
	s12 =	ssub.s32 s12, s26  }
0xc: {  	s28 =	sshrl.u32 s10, $0x2;
	s6 =	sadd.s32 s11, s6;
	s29 =	sshrl.u32 s11, $0x3  }
0xd: {  	s10 =	simm.s32 $0x2;
	s11 =	sor.u32 $0x1C02, s31;
	s13 =	sadd.s32 s28, s3  }
0xe: {  	s30 =	sshrl.u32 s6, $0x3;
	s9 =	sadd.s32 s9, s5;
	s5 =	sadd.s32 s7, s29  }
0xf: {  	s7 =	sadd.s32 s8, s30;
	s8 =	smax.u32 s12, $0x1;
	s12 =	sshrl.u32 s13, $0x3  }
0x10: {  	s13 =	simm.s32 $0x50;
	s6 =	sadd.s32 $0x400, s9;
	s9 =	simm.s32 $0x7D00  }
.LBB2_1:
0x11: {  	[tilespmem:s9], [sflag:$0x2] =	stream.linear.gather [hbm4b:s2+s4], $0x2800, $0x38;
	[tilespmem:$0x1E500] =	vst v63  }
0x12: {  	_ =	swait.ge [sflag:s10], $0x2800  }
0x13: {  	[sflag:s10] =	ssyncset.done $0x0  }
0x14: {  	[sflag:s10] =	ssyncadd.s32 $0xFFFFD800  }
0x15: {  	[spmem:s12], [sflag:s11] =	dma.local [hbm:s5], $0x2800  }
0x16: {  	_ =	swait.ge [sflag:s10], $0x2800  }
0x17: {  	[sflag:s10] =	ssyncset.done $0x0  }
0x18: {  	[sflag:s10] =	ssyncadd.s32 $0xFFFFD800  }
0x19: {  	[bflag:$0x0] =	sbarrier.arrive $0xFFFF  }
0x1a: {  	[tilespmem:s4], [sflag:$0x2] =	stream.linear.gather [hbm4b:s6+s4], $0x7D00, $0x38;
	[tilespmem:$0x1E500] =	vst v63  }
0x1b: {  	_ =	swait.ge [sflag:s10], $0x7D00  }
0x1c: {  	[sflag:s10] =	ssyncset.done $0x0  }
0x1d: {  	s16 =	simm.s32 $0x80;
	[sflag:s10] =	ssyncadd.s32 $0xFFFF8300  }
0x1e: {  	[spmem:s3] =	stream.indirect.scatter.add.f32 [tilespmem:s9], [sflag:$0x1], $0x80, s16, s13, $0xb8;
	[tilespmem:$0x1E500] =	vst v63  }
0x1f: {  	s28 =	simm.s32 $0x180  }
0x20: {  	[spmem:s3] =	stream.indirect.scatter.add.f32 [tilespmem:s9], [sflag:$0x1], $0x80, s28, s13, $0xb8;
	[tilespmem:$0x1E500] =	vst v63  }
0x21: {  	s29 =	simm.s32 $0x280  }
0x22: {  	[spmem:s3] =	stream.indirect.scatter.add.f32 [tilespmem:s9], [sflag:$0x1], $0x80, s29, s13, $0xb8;
	[tilespmem:$0x1E500] =	vst v63  }
0x23: {  	s30 =	simm.s32 $0x380  }
0x24: {  	[spmem:s3] =	stream.indirect.scatter.add.f32 [tilespmem:s9], [sflag:$0x1], $0x80, s30, s13, $0xb8;
	[tilespmem:$0x1E500] =	vst v63  }
0x25: {  	s31 =	simm.s32 $0x480  }
0x26: {  	[spmem:s3] =	stream.indirect.scatter.add.f32 [tilespmem:s9], [sflag:$0x1], $0x80, s31, s13, $0xb8;
	[tilespmem:$0x1E500] =	vst v63  }
0x27: {  	_ =	swait.ge [sflag:s14], $0x2800  }
0x28: {  	[sflag:s14] =	ssyncset.done $0x0  }
0x29: {  	[sflag:s14] =	ssyncadd.s32 $0xFFFFD800  }
0x2a: {  	_ =	swait.ge [sflag:s14], $0x2800  }
0x2b: {  	[sflag:s14] =	ssyncset.done $0x0  }
0x2c: {  	[sflag:s14] =	ssyncadd.s32 $0xFFFFD800  }
0x2d: {  	_ =	swait.ge [sflag:s14], $0x2800  }
0x2e: {  	[sflag:s14] =	ssyncset.done $0x0  }
0x2f: {  	[sflag:s14] =	ssyncadd.s32 $0xFFFFD800  }
0x30: {  	_ =	swait.ge [sflag:s14], $0x2800  }
0x31: {  	[sflag:s14] =	ssyncset.done $0x0  }
0x32: {  	[sflag:s14] =	ssyncadd.s32 $0xFFFFD800  }
0x33: {  	_ =	swait.ge [sflag:s14], $0x2800  }
0x34: {  	s17 =	simm.s32 $0xFFFE3400;
	s16 =	simm.s32 $0xFFFF8800;
	[sflag:s14] =	ssyncset.done $0x0  }
.LBB2_2:
0x35: {  	s18 =	sadd.s32 $0x7D80, s16  }
0x36: {  	[sflag:s14] =	ssyncadd.s32 $0xFFFFD800;
	s19 =	smov.u32 s17;
	s20 =	sadd.s32 $0x1400, s17  }
0x37: {  	[spmem:s3] =	stream.indirect.scatter.add.f32 [tilespmem:s9], [sflag:$0x1], $0x80, s18, s13, $0xb8;
	[tilespmem:$0x1E500] =	vst v63  }
0x38: {  	p0 =	sne.s32 s17, $0xFFFFEC00;
	s17 =	sadd.s32 $0x7E80, s16  }
0x39: {  	[spmem:s3] =	stream.indirect.scatter.add.f32 [tilespmem:s9], [sflag:$0x1], $0x80, s17, s13, $0xb8;
	[tilespmem:$0x1E500] =	vst v63  }
0x3a: {  	s17 =	sadd.s32 $0x7F80, s16  }
0x3b: {  	[spmem:s3] =	stream.indirect.scatter.add.f32 [tilespmem:s9], [sflag:$0x1], $0x80, s17, s13, $0xb8;
	[tilespmem:$0x1E500] =	vst v63  }
0x3c: {  	s17 =	sadd.s32 $0x8080, s16  }
0x3d: {  	[spmem:s3] =	stream.indirect.scatter.add.f32 [tilespmem:s9], [sflag:$0x1], $0x80, s17, s13, $0xb8;
	[tilespmem:$0x1E500] =	vst v63  }
0x3e: {  	s16 =	sadd.s32 $0x8180, s16  }
0x3f: {  	[spmem:s3] =	stream.indirect.scatter.add.f32 [tilespmem:s9], [sflag:$0x1], $0x80, s16, s13, $0xb8;
	[tilespmem:$0x1E500] =	vst v63  }
0x40: {  	_ =	swait.ge [sflag:s14], $0x2800  }
0x41: {  	[sflag:s14] =	ssyncset.done $0x0  }
0x42: {  	[sflag:s14] =	ssyncadd.s32 $0xFFFFD800  }
0x43: {  	_ =	swait.ge [sflag:s14], $0x2800  }
0x44: {  	[sflag:s14] =	ssyncset.done $0x0  }
0x45: {  	[sflag:s14] =	ssyncadd.s32 $0xFFFFD800  }
0x46: {  	_ =	swait.ge [sflag:s14], $0x2800  }
0x47: {  	[sflag:s14] =	ssyncset.done $0x0  }
0x48: {  	[sflag:s14] =	ssyncadd.s32 $0xFFFFD800  }
.Ltmp0:
0x49: {  	_ =	swait.ge [sflag:s14], $0x2800;
	(pc) =	sbr.rel @p0 .LBB2_2-.Ltmp0, $4  }
0x4a: {  	[sflag:s14] =	ssyncset.done $0x0  }
0x4b: {  	[sflag:s14] =	ssyncadd.s32 $0xFFFFD800  }
0x4c: {  	_ =	swait.ge [sflag:s14], $0x2800  }
0x4d: {  	s17 =	smov.u32 s20;
	s16 =	sshra.s32 s19, $0x2;
	[sflag:s14] =	ssyncset.done $0x0  }
0x4e: {  	s17 =	sadd.s32 $0x7D80, s16;
	[sflag:s14] =	ssyncadd.s32 $0xFFFFD800  }
0x4f: {  	[spmem:s3] =	stream.indirect.scatter.add.f32 [tilespmem:s9], [sflag:$0x1], $0x80, s17, s13, $0xb8;
	[tilespmem:$0x1E500] =	vst v63  }
0x50: {  	s28 =	sadd.s32 $0x7E80, s16  }
0x51: {  	[spmem:s3] =	stream.indirect.scatter.add.f32 [tilespmem:s9], [sflag:$0x1], $0x80, s28, s13, $0xb8;
	[tilespmem:$0x1E500] =	vst v63  }
0x52: {  	s29 =	sadd.s32 $0x7F80, s16  }
0x53: {  	[spmem:s3] =	stream.indirect.scatter.add.f32 [tilespmem:s9], [sflag:$0x1], $0x80, s29, s13, $0xb8;
	[tilespmem:$0x1E500] =	vst v63  }
0x54: {  	s30 =	sadd.s32 $0x8080, s16  }
0x55: {  	[spmem:s3] =	stream.indirect.scatter.add.f32 [tilespmem:s9], [sflag:$0x1], $0x80, s30, s13, $0xb8;
	[tilespmem:$0x1E500] =	vst v63  }
0x56: {  	s31 =	sadd.s32 $0x8180, s16  }
0x57: {  	[spmem:s3] =	stream.indirect.scatter.add.f32 [tilespmem:s9], [sflag:$0x1], $0x80, s31, s13, $0xb8;
	[tilespmem:$0x1E500] =	vst v63  }
0x58: {  	_ =	swait.ge [sflag:s14], $0x2800  }
0x59: {  	[sflag:s14] =	ssyncset.done $0x0  }
0x5a: {  	[sflag:s14] =	ssyncadd.s32 $0xFFFFD800  }
0x5b: {  	_ =	swait.ge [sflag:s14], $0x2800  }
0x5c: {  	[sflag:s14] =	ssyncset.done $0x0  }
0x5d: {  	[sflag:s14] =	ssyncadd.s32 $0xFFFFD800  }
0x5e: {  	_ =	swait.ge [sflag:s14], $0x2800  }
0x5f: {  	[sflag:s14] =	ssyncset.done $0x0  }
0x60: {  	[sflag:s14] =	ssyncadd.s32 $0xFFFFD800  }
0x61: {  	_ =	swait.ge [sflag:s14], $0x2800  }
0x62: {  	[sflag:s14] =	ssyncset.done $0x0  }
0x63: {  	[sflag:s14] =	ssyncadd.s32 $0xFFFFD800  }
0x64: {  	_ =	swait.ge [sflag:s14], $0x2800  }
0x65: {  	s15 =	sadd.s32 $0x1, s15;
	[sflag:s14] =	ssyncset.done $0x0  }
0x66: {  	p0 =	sne.s32 s15, s8;
	[sflag:s14] =	ssyncadd.s32 $0xFFFFD800  }
.Ltmp1:
0x67: {  	[bflag:$0x0] =	sbarrier.arrive $0xFFFF;
	(pc) =	sbr.rel @p0 .LBB2_1-.Ltmp1, $4  }
0x68: {  	[hbm:s7], [sflag:s11] =	dma.local [spmem:s12], $0x2800  }
0x69: {  	_ =	swait.ge [sflag:s10], $0x2800  }
0x6a: {  	[sflag:s10] =	ssyncset.done $0x0  }
0x6b: {  	[sflag:s10] =	ssyncadd.s32 $0xFFFFD800  }
0x6c: {  	_ =	sfence.sel $0x180000  }
0x6d: {  	[bflag:$0x0] =	sbarrier.arrive $0xFFFF  }
0x6e: {  	p0 =	sne.s32 s0, $0x0;
	_ =	strace $0x90000047  }
0x6f: {  	s0 =	sadd.s32 @!p0 $0x100000, s1;
	[bflag:$0x2] =	sbarrier.arrive $0xFFFF  }
0x70: {  	[sflag:s0] =	ssyncadd.tile.s32 @!p0 $0x1;
	_ =	shalt  }
.Lfunc_end2:
_tile_overlayer_lowered:
.L_overlay_start_2:
0x71: {  	(tag) =	ssettag $0x2  }
0x72: {  	s0 =	rddreg [dreg:$0x0];
	s2 =	stileid.u32  }
0x73: {  	s1 =	rddreg [dreg:$0x1];
	p0 =	sne.s32 s2, $0x0  }
0x74: {  	s3 =	rddreg [dreg:$0x2];
	[bflag:$0x3] =	sbarrier.arrive $0xFFFF;
	s2 =	simm.s32 @!p0 $0x1C02  }
0x75: {  	[timem:s3], [sflag:s2] =	dma.local @!p0 [hbm:s0], s1  }
0x76: {  	s0 =	simm.s32 @!p0 $0x2  }
0x77: {  	_ =	swait.ge @!p0 [sflag:s0], s1  }
0x78: {  	s1 =	ssub.s32 @!p0 $0x0, s1;
	[sflag:s0] =	ssyncset.done @!p0 $0x0  }
0x79: {  	[sflag:s0] =	ssyncadd.s32 @!p0 s1  }
0x7a: {  	[bflag:$0x3] =	sbarrier.arrive $0xFFFF  }
0x7b: {  	_ =	shalt  }

</sc_bundles>
